<compile_context>
chip_gen: v7x
topology: tpu7x:2x2x1
jax: 0.10.2.dev20260603
libtpu: 0.0.44.dev20260713+nightly
codegen_flags: <defaults>
</compile_context>

<pallas_src>
import functools

import jax
import jax.numpy as jnp
from jax import lax
from jax.experimental import pallas as pl
from jax.experimental.pallas import tpu as pltpu
from jax.experimental.pallas import tpu_sc as plsc

_SIZE = 3
_COLS = 1024
_NW = 8
_CPW = _COLS // _NW
_LANES = 16

_mesh = plsc.VectorSubcoreMesh(
    core_axis_name="c", subcore_axis_name="s", num_cores=1
)


@functools.partial(
    pl.kernel,
    mesh=_mesh,
    out_type=jax.ShapeDtypeStruct((_SIZE, _COLS), jnp.float32),
    scratch_types=[
        pltpu.VMEM((_SIZE, _SIZE, _LANES), jnp.float32),
        pltpu.VMEM((_SIZE, _CPW), jnp.float32),
        pltpu.VMEM((_SIZE, _CPW), jnp.float32),
        pltpu.SemaphoreType.DMA,
    ],
)
def _spmv(v_hbm, m_hbm, out_hbm, m_v, v_v, o_v, sem):
    wid = lax.axis_index("s")

    @pl.when(wid < _NW)
    def _():
        base = wid * _CPW
        c_m = pltpu.async_copy(m_hbm, m_v, sem)
        c_v = pltpu.async_copy(v_hbm.at[:, pl.ds(base, _CPW)], v_v, sem)
        c_m.wait()
        c_v.wait()
        m = [[m_v[r, k, :] for k in range(_SIZE)] for r in range(_SIZE)]
        for j in range(_CPW // _LANES):
            sl = pl.ds(j * _LANES, _LANES)
            rows = [v_v[k, sl] for k in range(_SIZE)]
            for r in range(_SIZE):
                acc = m[r][0] * rows[0]
                for k in range(1, _SIZE):
                    acc = acc + m[r][k] * rows[k]
                o_v[r, sl] = acc
        pltpu.async_copy(o_v, out_hbm.at[:, pl.ds(base, _CPW)], sem).wait()


def kernel(v, M_hat):
    m_b = jnp.broadcast_to(M_hat[:, :, None], (_SIZE, _SIZE, _LANES))
    return _spmv(v, m_b)

# --- scband reference (transcript-rebuilt; emitter-appended) ---
"""Pipeline reference for scband-my-model-61933428410338 (READ-ONLY COPY).

The authoritative reference and input builder live on the scoring server;
editing this copy changes nothing except your own understanding.
"""

import jax, jax.numpy as jnp
import numpy as np

D = 0.85
IDX = [[0, 1], [1, 2], [2, 0]]
SIZE = 3


def setup_inputs(seed: int = 0) -> dict:
    key = jax.random.key(seed)
    v = jax.random.normal(key, (SIZE, 1024), dtype=jnp.float32)
    # Build M_hat = d * M + temp, where M has 1.0 at each idx position and
    # temp has (1-d)/size[0] at the same sparse positions (duplicates coalesce by add).
    M_hat = np.zeros((SIZE, SIZE), dtype=np.float32)
    for r, c in IDX:
        M_hat[r, c] += D * 1.0 + (1.0 - D) / SIZE
    return {"v": v, "M_hat": jnp.asarray(M_hat)}


def reference(v, M_hat):
    # torch.mm(self.M_hat, v)
    return jnp.matmul(M_hat, v)

if __name__ == "__main__":
    import jax
    _d = setup_inputs()
    print(jax.jit(kernel)(*tuple(_d.values())))

</pallas_src>

<mosaic_0001>
#map = affine_map<(d0, d1) -> (0, 0)>
#map1 = affine_map<(d0, d1) -> (0, 0, 0)>
module attributes {stable_mosaic.version = 14 : i64} {
  func.func @_spmv(%arg0: i32, %arg1: i32, %arg2: memref<3x1024xf32, #tpu.memory_space<hbm>>, %arg3: memref<3x3x16xf32, #tpu.memory_space<hbm>>, %arg4: memref<3x1024xf32, #tpu.memory_space<hbm>>, %arg5: memref<3x3x16xf32, #tpu.memory_space<vmem>>, %arg6: memref<3x128xf32, #tpu.memory_space<vmem>>, %arg7: memref<3x128xf32, #tpu.memory_space<vmem>>, %arg8: memref<!tpu.dma_semaphore, #tpu.memory_space<semaphore_mem>>) attributes {dimension_semantics = [#tpu.dimension_semantics<core_parallel>, #tpu.dimension_semantics<subcore_parallel>], iteration_bounds = array<i64: 1, 16>, scalar_prefetch = 0 : i64, scratch_operands = 4 : i64, tpu.core_type = #tpu.core_type<sc_vector_subcore>, window_params = [{transform_indices = #map}, {transform_indices = #map1}, {transform_indices = #map}]} {
    %lt3A = arith.constant 8 : i32
    %lt3A_0 = arith.cmpi slt, %arg1, %lt3A : i32
    %convert_element_type3A = arith.extui %lt3A_0 : i1 to i32
    %cond3A = arith.constant 0 : i32
    %cond3A_1 = arith.cmpi ne, %convert_element_type3A, %cond3A : i32
    scf.if %cond3A_1 {
      %mul3A = arith.constant 128 : i32
      %mul3A_2 = arith.muli %arg1, %mul3A : i32
      tpu.enqueue_dma source(%arg3 : memref<3x3x16xf32, #tpu.memory_space<hbm>>) target(%arg5 : memref<3x3x16xf32, #tpu.memory_space<vmem>>) target_semaphore(%arg8 : memref<!tpu.dma_semaphore, #tpu.memory_space<semaphore_mem>>)
      %dma_start3A = arith.constant 0 : i32
      %dma_start3A_3 = tpu.memref_slice %arg2[%dma_start3A, %mul3A_2] : memref<3x1024xf32, #tpu.memory_space<hbm>> -> memref<3x128xf32, #tpu.memory_space<hbm>>
      %dma_start3A_4 = arith.constant 0 : i32
      %dma_start3A_5 = tpu.memref_slice %arg2[%dma_start3A_4, %mul3A_2] : memref<3x1024xf32, #tpu.memory_space<hbm>> -> memref<3x128xf32, #tpu.memory_space<hbm>>
      tpu.enqueue_dma source(%dma_start3A_5 : memref<3x128xf32, #tpu.memory_space<hbm>>) target(%arg6 : memref<3x128xf32, #tpu.memory_space<vmem>>) target_semaphore(%arg8 : memref<!tpu.dma_semaphore, #tpu.memory_space<semaphore_mem>>)
      tpu.wait_dma2 semaphore(%arg8 : memref<!tpu.dma_semaphore, #tpu.memory_space<semaphore_mem>>) src(%arg3 : memref<3x3x16xf32, #tpu.memory_space<hbm>>) dst(%arg5 : memref<3x3x16xf32, #tpu.memory_space<vmem>>)
      %dma_wait3A = arith.constant 0 : i32
      %dma_wait3A_6 = tpu.memref_slice %arg2[%dma_wait3A, %mul3A_2] : memref<3x1024xf32, #tpu.memory_space<hbm>> -> memref<3x128xf32, #tpu.memory_space<hbm>>
      %dma_wait3A_7 = arith.constant 0 : i32
      %dma_wait3A_8 = tpu.memref_slice %arg2[%dma_wait3A_7, %mul3A_2] : memref<3x1024xf32, #tpu.memory_space<hbm>> -> memref<3x128xf32, #tpu.memory_space<hbm>>
      tpu.wait_dma2 semaphore(%arg8 : memref<!tpu.dma_semaphore, #tpu.memory_space<semaphore_mem>>) src(%dma_wait3A_8 : memref<3x128xf32, #tpu.memory_space<hbm>>) dst(%arg6 : memref<3x128xf32, #tpu.memory_space<vmem>>)
      %get3A = arith.constant 0 : i32
      %get3A_9 = arith.constant 0 : i32
      %get3A_10 = arith.index_cast %get3A : i32 to index
      %get3A_11 = arith.index_cast %get3A_9 : i32 to index
      %get3A_12 = arith.constant 0 : index
      %get3A_13 = tpu.vector_load %arg5[%get3A_10, %get3A_11, %get3A_12] {strides = array<i32>} : memref<3x3x16xf32, #tpu.memory_space<vmem>>, vector<1x1x16xf32>,
      %get3A_14 = vector.shape_cast %get3A_13 : vector<1x1x16xf32> to vector<16xf32>
      %get3A_15 = arith.constant 0 : i32
      %get3A_16 = arith.constant 1 : i32
      %get3A_17 = arith.index_cast %get3A_15 : i32 to index
      %get3A_18 = arith.index_cast %get3A_16 : i32 to index
      %get3A_19 = arith.constant 0 : index
      %get3A_20 = tpu.vector_load %arg5[%get3A_17, %get3A_18, %get3A_19] {strides = array<i32>} : memref<3x3x16xf32, #tpu.memory_space<vmem>>, vector<1x1x16xf32>,
      %get3A_21 = vector.shape_cast %get3A_20 : vector<1x1x16xf32> to vector<16xf32>
      %get3A_22 = arith.constant 0 : i32
      %get3A_23 = arith.constant 2 : i32
      %get3A_24 = arith.index_cast %get3A_22 : i32 to index
      %get3A_25 = arith.index_cast %get3A_23 : i32 to index
      %get3A_26 = arith.constant 0 : index
      %get3A_27 = tpu.vector_load %arg5[%get3A_24, %get3A_25, %get3A_26] {strides = array<i32>} : memref<3x3x16xf32, #tpu.memory_space<vmem>>, vector<1x1x16xf32>,
      %get3A_28 = vector.shape_cast %get3A_27 : vector<1x1x16xf32> to vector<16xf32>
      %get3A_29 = arith.constant 1 : i32
      %get3A_30 = arith.constant 0 : i32
      %get3A_31 = arith.index_cast %get3A_29 : i32 to index
      %get3A_32 = arith.index_cast %get3A_30 : i32 to index
      %get3A_33 = arith.constant 0 : index
      %get3A_34 = tpu.vector_load %arg5[%get3A_31, %get3A_32, %get3A_33] {strides = array<i32>} : memref<3x3x16xf32, #tpu.memory_space<vmem>>, vector<1x1x16xf32>,
      %get3A_35 = vector.shape_cast %get3A_34 : vector<1x1x16xf32> to vector<16xf32>
      %get3A_36 = arith.constant 1 : i32
      %get3A_37 = arith.constant 1 : i32
      %get3A_38 = arith.index_cast %get3A_36 : i32 to index
      %get3A_39 = arith.index_cast %get3A_37 : i32 to index
      %get3A_40 = arith.constant 0 : index
      %get3A_41 = tpu.vector_load %arg5[%get3A_38, %get3A_39, %get3A_40] {strides = array<i32>} : memref<3x3x16xf32, #tpu.memory_space<vmem>>, vector<1x1x16xf32>,
      %get3A_42 = vector.shape_cast %get3A_41 : vector<1x1x16xf32> to vector<16xf32>
      %get3A_43 = arith.constant 1 : i32
      %get3A_44 = arith.constant 2 : i32
      %get3A_45 = arith.index_cast %get3A_43 : i32 to index
      %get3A_46 = arith.index_cast %get3A_44 : i32 to index
      %get3A_47 = arith.constant 0 : index
      %get3A_48 = tpu.vector_load %arg5[%get3A_45, %get3A_46, %get3A_47] {strides = array<i32>} : memref<3x3x16xf32, #tpu.memory_space<vmem>>, vector<1x1x16xf32>,
      %get3A_49 = vector.shape_cast %get3A_48 : vector<1x1x16xf32> to vector<16xf32>
      %get3A_50 = arith.constant 2 : i32
      %get3A_51 = arith.constant 0 : i32
      %get3A_52 = arith.index_cast %get3A_50 : i32 to index
      %get3A_53 = arith.index_cast %get3A_51 : i32 to index
      %get3A_54 = arith.constant 0 : index
      %get3A_55 = tpu.vector_load %arg5[%get3A_52, %get3A_53, %get3A_54] {strides = array<i32>} : memref<3x3x16xf32, #tpu.memory_space<vmem>>, vector<1x1x16xf32>,
      %get3A_56 = vector.shape_cast %get3A_55 : vector<1x1x16xf32> to vector<16xf32>
      %get3A_57 = arith.constant 2 : i32
      %get3A_58 = arith.constant 1 : i32
      %get3A_59 = arith.index_cast %get3A_57 : i32 to index
      %get3A_60 = arith.index_cast %get3A_58 : i32 to index
      %get3A_61 = arith.constant 0 : index
      %get3A_62 = tpu.vector_load %arg5[%get3A_59, %get3A_60, %get3A_61] {strides = array<i32>} : memref<3x3x16xf32, #tpu.memory_space<vmem>>, vector<1x1x16xf32>,
      %get3A_63 = vector.shape_cast %get3A_62 : vector<1x1x16xf32> to vector<16xf32>
      %get3A_64 = arith.constant 2 : i32
      %get3A_65 = arith.constant 2 : i32
      %get3A_66 = arith.index_cast %get3A_64 : i32 to index
      %get3A_67 = arith.index_cast %get3A_65 : i32 to index
      %get3A_68 = arith.constant 0 : index
      %get3A_69 = tpu.vector_load %arg5[%get3A_66, %get3A_67, %get3A_68] {strides = array<i32>} : memref<3x3x16xf32, #tpu.memory_space<vmem>>, vector<1x1x16xf32>,
      %get3A_70 = vector.shape_cast %get3A_69 : vector<1x1x16xf32> to vector<16xf32>
      %get3A_71 = arith.constant 0 : i32
      %get3A_72 = arith.index_cast %get3A_71 : i32 to index
      %get3A_73 = arith.constant 0 : index
      %get3A_74 = tpu.vector_load %arg6[%get3A_72, %get3A_73] {strides = array<i32>} : memref<3x128xf32, #tpu.memory_space<vmem>>, vector<1x16xf32>,
      %get3A_75 = vector.shape_cast %get3A_74 : vector<1x16xf32> to vector<16xf32>
      %get3A_76 = arith.constant 1 : i32
      %get3A_77 = arith.index_cast %get3A_76 : i32 to index
      %get3A_78 = arith.constant 0 : index
      %get3A_79 = tpu.vector_load %arg6[%get3A_77, %get3A_78] {strides = array<i32>} : memref<3x128xf32, #tpu.memory_space<vmem>>, vector<1x16xf32>,
      %get3A_80 = vector.shape_cast %get3A_79 : vector<1x16xf32> to vector<16xf32>
      %get3A_81 = arith.constant 2 : i32
      %get3A_82 = arith.index_cast %get3A_81 : i32 to index
      %get3A_83 = arith.constant 0 : index
      %get3A_84 = tpu.vector_load %arg6[%get3A_82, %get3A_83] {strides = array<i32>} : memref<3x128xf32, #tpu.memory_space<vmem>>, vector<1x16xf32>,
      %get3A_85 = vector.shape_cast %get3A_84 : vector<1x16xf32> to vector<16xf32>
      %mul3A_86 = arith.mulf %get3A_14, %get3A_75 : vector<16xf32>
      %mul3A_87 = arith.mulf %get3A_21, %get3A_80 : vector<16xf32>
      %add3A = arith.addf %mul3A_86, %mul3A_87 : vector<16xf32>
      %mul3A_88 = arith.mulf %get3A_28, %get3A_85 : vector<16xf32>
      %add3A_89 = arith.addf %add3A, %mul3A_88 : vector<16xf32>
      %swap3A = arith.constant 0 : i32
      %swap3A_90 = arith.index_cast %swap3A : i32 to index
      %swap3A_91 = arith.constant 0 : index
      %swap3A_92 = tpu.vector_load %arg7[%swap3A_90, %swap3A_91] {strides = array<i32>} : memref<3x128xf32, #tpu.memory_space<vmem>>, vector<1x16xf32>,
      %swap3A_93 = vector.shape_cast %swap3A_92 : vector<1x16xf32> to vector<16xf32>
      %swap3A_94 = vector.shape_cast %add3A_89 : vector<16xf32> to vector<1x16xf32>
      tpu.vector_store %arg7[%swap3A_90, %swap3A_91], %swap3A_94 {strides = array<i32>} : memref<3x128xf32, #tpu.memory_space<vmem>>, vector<1x16xf32>,
      %mul3A_95 = arith.mulf %get3A_35, %get3A_75 : vector<16xf32>
      %mul3A_96 = arith.mulf %get3A_42, %get3A_80 : vector<16xf32>
      %add3A_97 = arith.addf %mul3A_95, %mul3A_96 : vector<16xf32>
      %mul3A_98 = arith.mulf %get3A_49, %get3A_85 : vector<16xf32>
      %add3A_99 = arith.addf %add3A_97, %mul3A_98 : vector<16xf32>
      %swap3A_100 = arith.constant 1 : i32
      %swap3A_101 = arith.index_cast %swap3A_100 : i32 to index
      %swap3A_102 = arith.constant 0 : index
      %swap3A_103 = tpu.vector_load %arg7[%swap3A_101, %swap3A_102] {strides = array<i32>} : memref<3x128xf32, #tpu.memory_space<vmem>>, vector<1x16xf32>,
      %swap3A_104 = vector.shape_cast %swap3A_103 : vector<1x16xf32> to vector<16xf32>
      %swap3A_105 = vector.shape_cast %add3A_99 : vector<16xf32> to vector<1x16xf32>
      tpu.vector_store %arg7[%swap3A_101, %swap3A_102], %swap3A_105 {strides = array<i32>} : memref<3x128xf32, #tpu.memory_space<vmem>>, vector<1x16xf32>,
      %mul3A_106 = arith.mulf %get3A_56, %get3A_75 : vector<16xf32>
      %mul3A_107 = arith.mulf %get3A_63, %get3A_80 : vector<16xf32>
      %add3A_108 = arith.addf %mul3A_106, %mul3A_107 : vector<16xf32>
      %mul3A_109 = arith.mulf %get3A_70, %get3A_85 : vector<16xf32>
      %add3A_110 = arith.addf %add3A_108, %mul3A_109 : vector<16xf32>
      %swap3A_111 = arith.constant 2 : i32
      %swap3A_112 = arith.index_cast %swap3A_111 : i32 to index
      %swap3A_113 = arith.constant 0 : index
      %swap3A_114 = tpu.vector_load %arg7[%swap3A_112, %swap3A_113] {strides = array<i32>} : memref<3x128xf32, #tpu.memory_space<vmem>>, vector<1x16xf32>,
      %swap3A_115 = vector.shape_cast %swap3A_114 : vector<1x16xf32> to vector<16xf32>
      %swap3A_116 = vector.shape_cast %add3A_110 : vector<16xf32> to vector<1x16xf32>
      tpu.vector_store %arg7[%swap3A_112, %swap3A_113], %swap3A_116 {strides = array<i32>} : memref<3x128xf32, #tpu.memory_space<vmem>>, vector<1x16xf32>,
      %get3A_117 = arith.constant 0 : i32
      %get3A_118 = arith.index_cast %get3A_117 : i32 to index
      %get3A_119 = arith.constant 16 : index
      %get3A_120 = tpu.vector_load %arg6[%get3A_118, %get3A_119] {strides = array<i32>} : memref<3x128xf32, #tpu.memory_space<vmem>>, vector<1x16xf32>,
      %get3A_121 = vector.shape_cast %get3A_120 : vector<1x16xf32> to vector<16xf32>
      %get3A_122 = arith.constant 1 : i32
      %get3A_123 = arith.index_cast %get3A_122 : i32 to index
      %get3A_124 = arith.constant 16 : index
      %get3A_125 = tpu.vector_load %arg6[%get3A_123, %get3A_124] {strides = array<i32>} : memref<3x128xf32, #tpu.memory_space<vmem>>, vector<1x16xf32>,
      %get3A_126 = vector.shape_cast %get3A_125 : vector<1x16xf32> to vector<16xf32>
      %get3A_127 = arith.constant 2 : i32
      %get3A_128 = arith.index_cast %get3A_127 : i32 to index
      %get3A_129 = arith.constant 16 : index
      %get3A_130 = tpu.vector_load %arg6[%get3A_128, %get3A_129] {strides = array<i32>} : memref<3x128xf32, #tpu.memory_space<vmem>>, vector<1x16xf32>,
      %get3A_131 = vector.shape_cast %get3A_130 : vector<1x16xf32> to vector<16xf32>
      %mul3A_132 = arith.mulf %get3A_14, %get3A_121 : vector<16xf32>
      %mul3A_133 = arith.mulf %get3A_21, %get3A_126 : vector<16xf32>
      %add3A_134 = arith.addf %mul3A_132, %mul3A_133 : vector<16xf32>
      %mul3A_135 = arith.mulf %get3A_28, %get3A_131 : vector<16xf32>
      %add3A_136 = arith.addf %add3A_134, %mul3A_135 : vector<16xf32>
      %swap3A_137 = arith.constant 0 : i32
      %swap3A_138 = arith.index_cast %swap3A_137 : i32 to index
      %swap3A_139 = arith.constant 16 : index
      %swap3A_140 = tpu.vector_load %arg7[%swap3A_138, %swap3A_139] {strides = array<i32>} : memref<3x128xf32, #tpu.memory_space<vmem>>, vector<1x16xf32>,
      %swap3A_141 = vector.shape_cast %swap3A_140 : vector<1x16xf32> to vector<16xf32>
      %swap3A_142 = vector.shape_cast %add3A_136 : vector<16xf32> to vector<1x16xf32>
      tpu.vector_store %arg7[%swap3A_138, %swap3A_139], %swap3A_142 {strides = array<i32>} : memref<3x128xf32, #tpu.memory_space<vmem>>, vector<1x16xf32>,
      %mul3A_143 = arith.mulf %get3A_35, %get3A_121 : vector<16xf32>
      %mul3A_144 = arith.mulf %get3A_42, %get3A_126 : vector<16xf32>
      %add3A_145 = arith.addf %mul3A_143, %mul3A_144 : vector<16xf32>
      %mul3A_146 = arith.mulf %get3A_49, %get3A_131 : vector<16xf32>
      %add3A_147 = arith.addf %add3A_145, %mul3A_146 : vector<16xf32>
      %swap3A_148 = arith.constant 1 : i32
      %swap3A_149 = arith.index_cast %swap3A_148 : i32 to index
      %swap3A_150 = arith.constant 16 : index
      %swap3A_151 = tpu.vector_load %arg7[%swap3A_149, %swap3A_150] {strides = array<i32>} : memref<3x128xf32, #tpu.memory_space<vmem>>, vector<1x16xf32>,
      %swap3A_152 = vector.shape_cast %swap3A_151 : vector<1x16xf32> to vector<16xf32>
      %swap3A_153 = vector.shape_cast %add3A_147 : vector<16xf32> to vector<1x16xf32>
      tpu.vector_store %arg7[%swap3A_149, %swap3A_150], %swap3A_153 {strides = array<i32>} : memref<3x128xf32, #tpu.memory_space<vmem>>, vector<1x16xf32>,
      %mul3A_154 = arith.mulf %get3A_56, %get3A_121 : vector<16xf32>
      %mul3A_155 = arith.mulf %get3A_63, %get3A_126 : vector<16xf32>
      %add3A_156 = arith.addf %mul3A_154, %mul3A_155 : vector<16xf32>
      %mul3A_157 = arith.mulf %get3A_70, %get3A_131 : vector<16xf32>
      %add3A_158 = arith.addf %add3A_156, %mul3A_157 : vector<16xf32>
      %swap3A_159 = arith.constant 2 : i32
      %swap3A_160 = arith.index_cast %swap3A_159 : i32 to index
      %swap3A_161 = arith.constant 16 : index
      %swap3A_162 = tpu.vector_load %arg7[%swap3A_160, %swap3A_161] {strides = array<i32>} : memref<3x128xf32, #tpu.memory_space<vmem>>, vector<1x16xf32>,
      %swap3A_163 = vector.shape_cast %swap3A_162 : vector<1x16xf32> to vector<16xf32>
      %swap3A_164 = vector.shape_cast %add3A_158 : vector<16xf32> to vector<1x16xf32>
      tpu.vector_store %arg7[%swap3A_160, %swap3A_161], %swap3A_164 {strides = array<i32>} : memref<3x128xf32, #tpu.memory_space<vmem>>, vector<1x16xf32>,
      %get3A_165 = arith.constant 0 : i32
      %get3A_166 = arith.index_cast %get3A_165 : i32 to index
      %get3A_167 = arith.constant 32 : index
      %get3A_168 = tpu.vector_load %arg6[%get3A_166, %get3A_167] {strides = array<i32>} : memref<3x128xf32, #tpu.memory_space<vmem>>, vector<1x16xf32>,
      %get3A_169 = vector.shape_cast %get3A_168 : vector<1x16xf32> to vector<16xf32>
      %get3A_170 = arith.constant 1 : i32
      %get3A_171 = arith.index_cast %get3A_170 : i32 to index
      %get3A_172 = arith.constant 32 : index
      %get3A_173 = tpu.vector_load %arg6[%get3A_171, %get3A_172] {strides = array<i32>} : memref<3x128xf32, #tpu.memory_space<vmem>>, vector<1x16xf32>,
      %get3A_174 = vector.shape_cast %get3A_173 : vector<1x16xf32> to vector<16xf32>
      %get3A_175 = arith.constant 2 : i32
      %get3A_176 = arith.index_cast %get3A_175 : i32 to index
      %get3A_177 = arith.constant 32 : index
      %get3A_178 = tpu.vector_load %arg6[%get3A_176, %get3A_177] {strides = array<i32>} : memref<3x128xf32, #tpu.memory_space<vmem>>, vector<1x16xf32>,
      %get3A_179 = vector.shape_cast %get3A_178 : vector<1x16xf32> to vector<16xf32>
      %mul3A_180 = arith.mulf %get3A_14, %get3A_169 : vector<16xf32>
      %mul3A_181 = arith.mulf %get3A_21, %get3A_174 : vector<16xf32>
      %add3A_182 = arith.addf %mul3A_180, %mul3A_181 : vector<16xf32>
      %mul3A_183 = arith.mulf %get3A_28, %get3A_179 : vector<16xf32>
      %add3A_184 = arith.addf %add3A_182, %mul3A_183 : vector<16xf32>
      %swap3A_185 = arith.constant 0 : i32
      %swap3A_186 = arith.index_cast %swap3A_185 : i32 to index
      %swap3A_187 = arith.constant 32 : index
      %swap3A_188 = tpu.vector_load %arg7[%swap3A_186, %swap3A_187] {strides = array<i32>} : memref<3x128xf32, #tpu.memory_space<vmem>>, vector<1x16xf32>,
      %swap3A_189 = vector.shape_cast %swap3A_188 : vector<1x16xf32> to vector<16xf32>
      %swap3A_190 = vector.shape_cast %add3A_184 : vector<16xf32> to vector<1x16xf32>
      tpu.vector_store %arg7[%swap3A_186, %swap3A_187], %swap3A_190 {strides = array<i32>} : memref<3x128xf32, #tpu.memory_space<vmem>>, vector<1x16xf32>,
      %mul3A_191 = arith.mulf %get3A_35, %get3A_169 : vector<16xf32>
      %mul3A_192 = arith.mulf %get3A_42, %get3A_174 : vector<16xf32>
      %add3A_193 = arith.addf %mul3A_191, %mul3A_192 : vector<16xf32>
      %mul3A_194 = arith.mulf %get3A_49, %get3A_179 : vector<16xf32>
      %add3A_195 = arith.addf %add3A_193, %mul3A_194 : vector<16xf32>
      %swap3A_196 = arith.constant 1 : i32
      %swap3A_197 = arith.index_cast %swap3A_196 : i32 to index
      %swap3A_198 = arith.constant 32 : index
      %swap3A_199 = tpu.vector_load %arg7[%swap3A_197, %swap3A_198] {strides = array<i32>} : memref<3x128xf32, #tpu.memory_space<vmem>>, vector<1x16xf32>,
      %swap3A_200 = vector.shape_cast %swap3A_199 : vector<1x16xf32> to vector<16xf32>
      %swap3A_201 = vector.shape_cast %add3A_195 : vector<16xf32> to vector<1x16xf32>
      tpu.vector_store %arg7[%swap3A_197, %swap3A_198], %swap3A_201 {strides = array<i32>} : memref<3x128xf32, #tpu.memory_space<vmem>>, vector<1x16xf32>,
      %mul3A_202 = arith.mulf %get3A_56, %get3A_169 : vector<16xf32>
      %mul3A_203 = arith.mulf %get3A_63, %get3A_174 : vector<16xf32>
      %add3A_204 = arith.addf %mul3A_202, %mul3A_203 : vector<16xf32>
      %mul3A_205 = arith.mulf %get3A_70, %get3A_179 : vector<16xf32>
      %add3A_206 = arith.addf %add3A_204, %mul3A_205 : vector<16xf32>
      %swap3A_207 = arith.constant 2 : i32
      %swap3A_208 = arith.index_cast %swap3A_207 : i32 to index
      %swap3A_209 = arith.constant 32 : index
      %swap3A_210 = tpu.vector_load %arg7[%swap3A_208, %swap3A_209] {strides = array<i32>} : memref<3x128xf32, #tpu.memory_space<vmem>>, vector<1x16xf32>,
      %swap3A_211 = vector.shape_cast %swap3A_210 : vector<1x16xf32> to vector<16xf32>
      %swap3A_212 = vector.shape_cast %add3A_206 : vector<16xf32> to vector<1x16xf32>
      tpu.vector_store %arg7[%swap3A_208, %swap3A_209], %swap3A_212 {strides = array<i32>} : memref<3x128xf32, #tpu.memory_space<vmem>>, vector<1x16xf32>,
      %get3A_213 = arith.constant 0 : i32
      %get3A_214 = arith.index_cast %get3A_213 : i32 to index
      %get3A_215 = arith.constant 48 : index
      %get3A_216 = tpu.vector_load %arg6[%get3A_214, %get3A_215] {strides = array<i32>} : memref<3x128xf32, #tpu.memory_space<vmem>>, vector<1x16xf32>,
      %get3A_217 = vector.shape_cast %get3A_216 : vector<1x16xf32> to vector<16xf32>
      %get3A_218 = arith.constant 1 : i32
      %get3A_219 = arith.index_cast %get3A_218 : i32 to index
      %get3A_220 = arith.constant 48 : index
      %get3A_221 = tpu.vector_load %arg6[%get3A_219, %get3A_220] {strides = array<i32>} : memref<3x128xf32, #tpu.memory_space<vmem>>, vector<1x16xf32>,
      %get3A_222 = vector.shape_cast %get3A_221 : vector<1x16xf32> to vector<16xf32>
      %get3A_223 = arith.constant 2 : i32
      %get3A_224 = arith.index_cast %get3A_223 : i32 to index
      %get3A_225 = arith.constant 48 : index
      %get3A_226 = tpu.vector_load %arg6[%get3A_224, %get3A_225] {strides = array<i32>} : memref<3x128xf32, #tpu.memory_space<vmem>>, vector<1x16xf32>,
      %get3A_227 = vector.shape_cast %get3A_226 : vector<1x16xf32> to vector<16xf32>
      %mul3A_228 = arith.mulf %get3A_14, %get3A_217 : vector<16xf32>
      %mul3A_229 = arith.mulf %get3A_21, %get3A_222 : vector<16xf32>
      %add3A_230 = arith.addf %mul3A_228, %mul3A_229 : vector<16xf32>
      %mul3A_231 = arith.mulf %get3A_28, %get3A_227 : vector<16xf32>
      %add3A_232 = arith.addf %add3A_230, %mul3A_231 : vector<16xf32>
      %swap3A_233 = arith.constant 0 : i32
      %swap3A_234 = arith.index_cast %swap3A_233 : i32 to index
      %swap3A_235 = arith.constant 48 : index
      %swap3A_236 = tpu.vector_load %arg7[%swap3A_234, %swap3A_235] {strides = array<i32>} : memref<3x128xf32, #tpu.memory_space<vmem>>, vector<1x16xf32>,
      %swap3A_237 = vector.shape_cast %swap3A_236 : vector<1x16xf32> to vector<16xf32>
      %swap3A_238 = vector.shape_cast %add3A_232 : vector<16xf32> to vector<1x16xf32>
      tpu.vector_store %arg7[%swap3A_234, %swap3A_235], %swap3A_238 {strides = array<i32>} : memref<3x128xf32, #tpu.memory_space<vmem>>, vector<1x16xf32>,
      %mul3A_239 = arith.mulf %get3A_35, %get3A_217 : vector<16xf32>
      %mul3A_240 = arith.mulf %get3A_42, %get3A_222 : vector<16xf32>
      %add3A_241 = arith.addf %mul3A_239, %mul3A_240 : vector<16xf32>
      %mul3A_242 = arith.mulf %get3A_49, %get3A_227 : vector<16xf32>
      %add3A_243 = arith.addf %add3A_241, %mul3A_242 : vector<16xf32>
      %swap3A_244 = arith.constant 1 : i32
      %swap3A_245 = arith.index_cast %swap3A_244 : i32 to index
      %swap3A_246 = arith.constant 48 : index
      %swap3A_247 = tpu.vector_load %arg7[%swap3A_245, %swap3A_246] {strides = array<i32>} : memref<3x128xf32, #tpu.memory_space<vmem>>, vector<1x16xf32>,
      %swap3A_248 = vector.shape_cast %swap3A_247 : vector<1x16xf32> to vector<16xf32>
      %swap3A_249 = vector.shape_cast %add3A_243 : vector<16xf32> to vector<1x16xf32>
      tpu.vector_store %arg7[%swap3A_245, %swap3A_246], %swap3A_249 {strides = array<i32>} : memref<3x128xf32, #tpu.memory_space<vmem>>, vector<1x16xf32>,
      %mul3A_250 = arith.mulf %get3A_56, %get3A_217 : vector<16xf32>
      %mul3A_251 = arith.mulf %get3A_63, %get3A_222 : vector<16xf32>
      %add3A_252 = arith.addf %mul3A_250, %mul3A_251 : vector<16xf32>
      %mul3A_253 = arith.mulf %get3A_70, %get3A_227 : vector<16xf32>
      %add3A_254 = arith.addf %add3A_252, %mul3A_253 : vector<16xf32>
      %swap3A_255 = arith.constant 2 : i32
      %swap3A_256 = arith.index_cast %swap3A_255 : i32 to index
      %swap3A_257 = arith.constant 48 : index
      %swap3A_258 = tpu.vector_load %arg7[%swap3A_256, %swap3A_257] {strides = array<i32>} : memref<3x128xf32, #tpu.memory_space<vmem>>, vector<1x16xf32>,
      %swap3A_259 = vector.shape_cast %swap3A_258 : vector<1x16xf32> to vector<16xf32>
      %swap3A_260 = vector.shape_cast %add3A_254 : vector<16xf32> to vector<1x16xf32>
      tpu.vector_store %arg7[%swap3A_256, %swap3A_257], %swap3A_260 {strides = array<i32>} : memref<3x128xf32, #tpu.memory_space<vmem>>, vector<1x16xf32>,
      %get3A_261 = arith.constant 0 : i32
      %get3A_262 = arith.index_cast %get3A_261 : i32 to index
      %get3A_263 = arith.constant 64 : index
      %get3A_264 = tpu.vector_load %arg6[%get3A_262, %get3A_263] {strides = array<i32>} : memref<3x128xf32, #tpu.memory_space<vmem>>, vector<1x16xf32>,
      %get3A_265 = vector.shape_cast %get3A_264 : vector<1x16xf32> to vector<16xf32>
      %get3A_266 = arith.constant 1 : i32
      %get3A_267 = arith.index_cast %get3A_266 : i32 to index
      %get3A_268 = arith.constant 64 : index
      %get3A_269 = tpu.vector_load %arg6[%get3A_267, %get3A_268] {strides = array<i32>} : memref<3x128xf32, #tpu.memory_space<vmem>>, vector<1x16xf32>,
      %get3A_270 = vector.shape_cast %get3A_269 : vector<1x16xf32> to vector<16xf32>
      %get3A_271 = arith.constant 2 : i32
      %get3A_272 = arith.index_cast %get3A_271 : i32 to index
      %get3A_273 = arith.constant 64 : index
      %get3A_274 = tpu.vector_load %arg6[%get3A_272, %get3A_273] {strides = array<i32>} : memref<3x128xf32, #tpu.memory_space<vmem>>, vector<1x16xf32>,
      %get3A_275 = vector.shape_cast %get3A_274 : vector<1x16xf32> to vector<16xf32>
      %mul3A_276 = arith.mulf %get3A_14, %get3A_265 : vector<16xf32>
      %mul3A_277 = arith.mulf %get3A_21, %get3A_270 : vector<16xf32>
      %add3A_278 = arith.addf %mul3A_276, %mul3A_277 : vector<16xf32>
      %mul3A_279 = arith.mulf %get3A_28, %get3A_275 : vector<16xf32>
      %add3A_280 = arith.addf %add3A_278, %mul3A_279 : vector<16xf32>
      %swap3A_281 = arith.constant 0 : i32
      %swap3A_282 = arith.index_cast %swap3A_281 : i32 to index
      %swap3A_283 = arith.constant 64 : index
      %swap3A_284 = tpu.vector_load %arg7[%swap3A_282, %swap3A_283] {strides = array<i32>} : memref<3x128xf32, #tpu.memory_space<vmem>>, vector<1x16xf32>,
      %swap3A_285 = vector.shape_cast %swap3A_284 : vector<1x16xf32> to vector<16xf32>
      %swap3A_286 = vector.shape_cast %add3A_280 : vector<16xf32> to vector<1x16xf32>
      tpu.vector_store %arg7[%swap3A_282, %swap3A_283], %swap3A_286 {strides = array<i32>} : memref<3x128xf32, #tpu.memory_space<vmem>>, vector<1x16xf32>,
      %mul3A_287 = arith.mulf %get3A_35, %get3A_265 : vector<16xf32>
      %mul3A_288 = arith.mulf %get3A_42, %get3A_270 : vector<16xf32>
      %add3A_289 = arith.addf %mul3A_287, %mul3A_288 : vector<16xf32>
      %mul3A_290 = arith.mulf %get3A_49, %get3A_275 : vector<16xf32>
      %add3A_291 = arith.addf %add3A_289, %mul3A_290 : vector<16xf32>
      %swap3A_292 = arith.constant 1 : i32
      %swap3A_293 = arith.index_cast %swap3A_292 : i32 to index
      %swap3A_294 = arith.constant 64 : index
      %swap3A_295 = tpu.vector_load %arg7[%swap3A_293, %swap3A_294] {strides = array<i32>} : memref<3x128xf32, #tpu.memory_space<vmem>>, vector<1x16xf32>,
      %swap3A_296 = vector.shape_cast %swap3A_295 : vector<1x16xf32> to vector<16xf32>
      %swap3A_297 = vector.shape_cast %add3A_291 : vector<16xf32> to vector<1x16xf32>
      tpu.vector_store %arg7[%swap3A_293, %swap3A_294], %swap3A_297 {strides = array<i32>} : memref<3x128xf32, #tpu.memory_space<vmem>>, vector<1x16xf32>,
      %mul3A_298 = arith.mulf %get3A_56, %get3A_265 : vector<16xf32>
      %mul3A_299 = arith.mulf %get3A_63, %get3A_270 : vector<16xf32>
      %add3A_300 = arith.addf %mul3A_298, %mul3A_299 : vector<16xf32>
      %mul3A_301 = arith.mulf %get3A_70, %get3A_275 : vector<16xf32>
      %add3A_302 = arith.addf %add3A_300, %mul3A_301 : vector<16xf32>
      %swap3A_303 = arith.constant 2 : i32
      %swap3A_304 = arith.index_cast %swap3A_303 : i32 to index
      %swap3A_305 = arith.constant 64 : index
      %swap3A_306 = tpu.vector_load %arg7[%swap3A_304, %swap3A_305] {strides = array<i32>} : memref<3x128xf32, #tpu.memory_space<vmem>>, vector<1x16xf32>,
      %swap3A_307 = vector.shape_cast %swap3A_306 : vector<1x16xf32> to vector<16xf32>
      %swap3A_308 = vector.shape_cast %add3A_302 : vector<16xf32> to vector<1x16xf32>
      tpu.vector_store %arg7[%swap3A_304, %swap3A_305], %swap3A_308 {strides = array<i32>} : memref<3x128xf32, #tpu.memory_space<vmem>>, vector<1x16xf32>,
      %get3A_309 = arith.constant 0 : i32
      %get3A_310 = arith.index_cast %get3A_309 : i32 to index
      %get3A_311 = arith.constant 80 : index
      %get3A_312 = tpu.vector_load %arg6[%get3A_310, %get3A_311] {strides = array<i32>} : memref<3x128xf32, #tpu.memory_space<vmem>>, vector<1x16xf32>,
      %get3A_313 = vector.shape_cast %get3A_312 : vector<1x16xf32> to vector<16xf32>
      %get3A_314 = arith.constant 1 : i32
      %get3A_315 = arith.index_cast %get3A_314 : i32 to index
      %get3A_316 = arith.constant 80 : index
      %get3A_317 = tpu.vector_load %arg6[%get3A_315, %get3A_316] {strides = array<i32>} : memref<3x128xf32, #tpu.memory_space<vmem>>, vector<1x16xf32>,
      %get3A_318 = vector.shape_cast %get3A_317 : vector<1x16xf32> to vector<16xf32>
      %get3A_319 = arith.constant 2 : i32
      %get3A_320 = arith.index_cast %get3A_319 : i32 to index
      %get3A_321 = arith.constant 80 : index
      %get3A_322 = tpu.vector_load %arg6[%get3A_320, %get3A_321] {strides = array<i32>} : memref<3x128xf32, #tpu.memory_space<vmem>>, vector<1x16xf32>,
      %get3A_323 = vector.shape_cast %get3A_322 : vector<1x16xf32> to vector<16xf32>
      %mul3A_324 = arith.mulf %get3A_14, %get3A_313 : vector<16xf32>
      %mul3A_325 = arith.mulf %get3A_21, %get3A_318 : vector<16xf32>
      %add3A_326 = arith.addf %mul3A_324, %mul3A_325 : vector<16xf32>
      %mul3A_327 = arith.mulf %get3A_28, %get3A_323 : vector<16xf32>
      %add3A_328 = arith.addf %add3A_326, %mul3A_327 : vector<16xf32>
      %swap3A_329 = arith.constant 0 : i32
      %swap3A_330 = arith.index_cast %swap3A_329 : i32 to index
      %swap3A_331 = arith.constant 80 : index
      %swap3A_332 = tpu.vector_load %arg7[%swap3A_330, %swap3A_331] {strides = array<i32>} : memref<3x128xf32, #tpu.memory_space<vmem>>, vector<1x16xf32>,
      %swap3A_333 = vector.shape_cast %swap3A_332 : vector<1x16xf32> to vector<16xf32>
      %swap3A_334 = vector.shape_cast %add3A_328 : vector<16xf32> to vector<1x16xf32>
      tpu.vector_store %arg7[%swap3A_330, %swap3A_331], %swap3A_334 {strides = array<i32>} : memref<3x128xf32, #tpu.memory_space<vmem>>, vector<1x16xf32>,
      %mul3A_335 = arith.mulf %get3A_35, %get3A_313 : vector<16xf32>
      %mul3A_336 = arith.mulf %get3A_42, %get3A_318 : vector<16xf32>
      %add3A_337 = arith.addf %mul3A_335, %mul3A_336 : vector<16xf32>
      %mul3A_338 = arith.mulf %get3A_49, %get3A_323 : vector<16xf32>
      %add3A_339 = arith.addf %add3A_337, %mul3A_338 : vector<16xf32>
      %swap3A_340 = arith.constant 1 : i32
      %swap3A_341 = arith.index_cast %swap3A_340 : i32 to index
      %swap3A_342 = arith.constant 80 : index
      %swap3A_343 = tpu.vector_load %arg7[%swap3A_341, %swap3A_342] {strides = array<i32>} : memref<3x128xf32, #tpu.memory_space<vmem>>, vector<1x16xf32>,
      %swap3A_344 = vector.shape_cast %swap3A_343 : vector<1x16xf32> to vector<16xf32>
      %swap3A_345 = vector.shape_cast %add3A_339 : vector<16xf32> to vector<1x16xf32>
      tpu.vector_store %arg7[%swap3A_341, %swap3A_342], %swap3A_345 {strides = array<i32>} : memref<3x128xf32, #tpu.memory_space<vmem>>, vector<1x16xf32>,
      %mul3A_346 = arith.mulf %get3A_56, %get3A_313 : vector<16xf32>
      %mul3A_347 = arith.mulf %get3A_63, %get3A_318 : vector<16xf32>
      %add3A_348 = arith.addf %mul3A_346, %mul3A_347 : vector<16xf32>
      %mul3A_349 = arith.mulf %get3A_70, %get3A_323 : vector<16xf32>
      %add3A_350 = arith.addf %add3A_348, %mul3A_349 : vector<16xf32>
      %swap3A_351 = arith.constant 2 : i32
      %swap3A_352 = arith.index_cast %swap3A_351 : i32 to index
      %swap3A_353 = arith.constant 80 : index
      %swap3A_354 = tpu.vector_load %arg7[%swap3A_352, %swap3A_353] {strides = array<i32>} : memref<3x128xf32, #tpu.memory_space<vmem>>, vector<1x16xf32>,
      %swap3A_355 = vector.shape_cast %swap3A_354 : vector<1x16xf32> to vector<16xf32>
      %swap3A_356 = vector.shape_cast %add3A_350 : vector<16xf32> to vector<1x16xf32>
      tpu.vector_store %arg7[%swap3A_352, %swap3A_353], %swap3A_356 {strides = array<i32>} : memref<3x128xf32, #tpu.memory_space<vmem>>, vector<1x16xf32>,
      %get3A_357 = arith.constant 0 : i32
      %get3A_358 = arith.index_cast %get3A_357 : i32 to index
      %get3A_359 = arith.constant 96 : index
      %get3A_360 = tpu.vector_load %arg6[%get3A_358, %get3A_359] {strides = array<i32>} : memref<3x128xf32, #tpu.memory_space<vmem>>, vector<1x16xf32>,
      %get3A_361 = vector.shape_cast %get3A_360 : vector<1x16xf32> to vector<16xf32>
      %get3A_362 = arith.constant 1 : i32
      %get3A_363 = arith.index_cast %get3A_362 : i32 to index
      %get3A_364 = arith.constant 96 : index
      %get3A_365 = tpu.vector_load %arg6[%get3A_363, %get3A_364] {strides = array<i32>} : memref<3x128xf32, #tpu.memory_space<vmem>>, vector<1x16xf32>,
      %get3A_366 = vector.shape_cast %get3A_365 : vector<1x16xf32> to vector<16xf32>
      %get3A_367 = arith.constant 2 : i32
      %get3A_368 = arith.index_cast %get3A_367 : i32 to index
      %get3A_369 = arith.constant 96 : index
      %get3A_370 = tpu.vector_load %arg6[%get3A_368, %get3A_369] {strides = array<i32>} : memref<3x128xf32, #tpu.memory_space<vmem>>, vector<1x16xf32>,
      %get3A_371 = vector.shape_cast %get3A_370 : vector<1x16xf32> to vector<16xf32>
      %mul3A_372 = arith.mulf %get3A_14, %get3A_361 : vector<16xf32>
      %mul3A_373 = arith.mulf %get3A_21, %get3A_366 : vector<16xf32>
      %add3A_374 = arith.addf %mul3A_372, %mul3A_373 : vector<16xf32>
      %mul3A_375 = arith.mulf %get3A_28, %get3A_371 : vector<16xf32>
      %add3A_376 = arith.addf %add3A_374, %mul3A_375 : vector<16xf32>
      %swap3A_377 = arith.constant 0 : i32
      %swap3A_378 = arith.index_cast %swap3A_377 : i32 to index
      %swap3A_379 = arith.constant 96 : index
      %swap3A_380 = tpu.vector_load %arg7[%swap3A_378, %swap3A_379] {strides = array<i32>} : memref<3x128xf32, #tpu.memory_space<vmem>>, vector<1x16xf32>,
      %swap3A_381 = vector.shape_cast %swap3A_380 : vector<1x16xf32> to vector<16xf32>
      %swap3A_382 = vector.shape_cast %add3A_376 : vector<16xf32> to vector<1x16xf32>
      tpu.vector_store %arg7[%swap3A_378, %swap3A_379], %swap3A_382 {strides = array<i32>} : memref<3x128xf32, #tpu.memory_space<vmem>>, vector<1x16xf32>,
      %mul3A_383 = arith.mulf %get3A_35, %get3A_361 : vector<16xf32>
      %mul3A_384 = arith.mulf %get3A_42, %get3A_366 : vector<16xf32>
      %add3A_385 = arith.addf %mul3A_383, %mul3A_384 : vector<16xf32>
      %mul3A_386 = arith.mulf %get3A_49, %get3A_371 : vector<16xf32>
      %add3A_387 = arith.addf %add3A_385, %mul3A_386 : vector<16xf32>
      %swap3A_388 = arith.constant 1 : i32
      %swap3A_389 = arith.index_cast %swap3A_388 : i32 to index
      %swap3A_390 = arith.constant 96 : index
      %swap3A_391 = tpu.vector_load %arg7[%swap3A_389, %swap3A_390] {strides = array<i32>} : memref<3x128xf32, #tpu.memory_space<vmem>>, vector<1x16xf32>,
      %swap3A_392 = vector.shape_cast %swap3A_391 : vector<1x16xf32> to vector<16xf32>
      %swap3A_393 = vector.shape_cast %add3A_387 : vector<16xf32> to vector<1x16xf32>
      tpu.vector_store %arg7[%swap3A_389, %swap3A_390], %swap3A_393 {strides = array<i32>} : memref<3x128xf32, #tpu.memory_space<vmem>>, vector<1x16xf32>,
      %mul3A_394 = arith.mulf %get3A_56, %get3A_361 : vector<16xf32>
      %mul3A_395 = arith.mulf %get3A_63, %get3A_366 : vector<16xf32>
      %add3A_396 = arith.addf %mul3A_394, %mul3A_395 : vector<16xf32>
      %mul3A_397 = arith.mulf %get3A_70, %get3A_371 : vector<16xf32>
      %add3A_398 = arith.addf %add3A_396, %mul3A_397 : vector<16xf32>
      %swap3A_399 = arith.constant 2 : i32
      %swap3A_400 = arith.index_cast %swap3A_399 : i32 to index
      %swap3A_401 = arith.constant 96 : index
      %swap3A_402 = tpu.vector_load %arg7[%swap3A_400, %swap3A_401] {strides = array<i32>} : memref<3x128xf32, #tpu.memory_space<vmem>>, vector<1x16xf32>,
      %swap3A_403 = vector.shape_cast %swap3A_402 : vector<1x16xf32> to vector<16xf32>
      %swap3A_404 = vector.shape_cast %add3A_398 : vector<16xf32> to vector<1x16xf32>
      tpu.vector_store %arg7[%swap3A_400, %swap3A_401], %swap3A_404 {strides = array<i32>} : memref<3x128xf32, #tpu.memory_space<vmem>>, vector<1x16xf32>,
      %get3A_405 = arith.constant 0 : i32
      %get3A_406 = arith.index_cast %get3A_405 : i32 to index
      %get3A_407 = arith.constant 112 : index
      %get3A_408 = tpu.vector_load %arg6[%get3A_406, %get3A_407] {strides = array<i32>} : memref<3x128xf32, #tpu.memory_space<vmem>>, vector<1x16xf32>,
      %get3A_409 = vector.shape_cast %get3A_408 : vector<1x16xf32> to vector<16xf32>
      %get3A_410 = arith.constant 1 : i32
      %get3A_411 = arith.index_cast %get3A_410 : i32 to index
      %get3A_412 = arith.constant 112 : index
      %get3A_413 = tpu.vector_load %arg6[%get3A_411, %get3A_412] {strides = array<i32>} : memref<3x128xf32, #tpu.memory_space<vmem>>, vector<1x16xf32>,
      %get3A_414 = vector.shape_cast %get3A_413 : vector<1x16xf32> to vector<16xf32>
      %get3A_415 = arith.constant 2 : i32
      %get3A_416 = arith.index_cast %get3A_415 : i32 to index
      %get3A_417 = arith.constant 112 : index
      %get3A_418 = tpu.vector_load %arg6[%get3A_416, %get3A_417] {strides = array<i32>} : memref<3x128xf32, #tpu.memory_space<vmem>>, vector<1x16xf32>,
      %get3A_419 = vector.shape_cast %get3A_418 : vector<1x16xf32> to vector<16xf32>
      %mul3A_420 = arith.mulf %get3A_14, %get3A_409 : vector<16xf32>
      %mul3A_421 = arith.mulf %get3A_21, %get3A_414 : vector<16xf32>
      %add3A_422 = arith.addf %mul3A_420, %mul3A_421 : vector<16xf32>
      %mul3A_423 = arith.mulf %get3A_28, %get3A_419 : vector<16xf32>
      %add3A_424 = arith.addf %add3A_422, %mul3A_423 : vector<16xf32>
      %swap3A_425 = arith.constant 0 : i32
      %swap3A_426 = arith.index_cast %swap3A_425 : i32 to index
      %swap3A_427 = arith.constant 112 : index
      %swap3A_428 = tpu.vector_load %arg7[%swap3A_426, %swap3A_427] {strides = array<i32>} : memref<3x128xf32, #tpu.memory_space<vmem>>, vector<1x16xf32>,
      %swap3A_429 = vector.shape_cast %swap3A_428 : vector<1x16xf32> to vector<16xf32>
      %swap3A_430 = vector.shape_cast %add3A_424 : vector<16xf32> to vector<1x16xf32>
      tpu.vector_store %arg7[%swap3A_426, %swap3A_427], %swap3A_430 {strides = array<i32>} : memref<3x128xf32, #tpu.memory_space<vmem>>, vector<1x16xf32>,
      %mul3A_431 = arith.mulf %get3A_35, %get3A_409 : vector<16xf32>
      %mul3A_432 = arith.mulf %get3A_42, %get3A_414 : vector<16xf32>
      %add3A_433 = arith.addf %mul3A_431, %mul3A_432 : vector<16xf32>
      %mul3A_434 = arith.mulf %get3A_49, %get3A_419 : vector<16xf32>
      %add3A_435 = arith.addf %add3A_433, %mul3A_434 : vector<16xf32>
      %swap3A_436 = arith.constant 1 : i32
      %swap3A_437 = arith.index_cast %swap3A_436 : i32 to index
      %swap3A_438 = arith.constant 112 : index
      %swap3A_439 = tpu.vector_load %arg7[%swap3A_437, %swap3A_438] {strides = array<i32>} : memref<3x128xf32, #tpu.memory_space<vmem>>, vector<1x16xf32>,
      %swap3A_440 = vector.shape_cast %swap3A_439 : vector<1x16xf32> to vector<16xf32>
      %swap3A_441 = vector.shape_cast %add3A_435 : vector<16xf32> to vector<1x16xf32>
      tpu.vector_store %arg7[%swap3A_437, %swap3A_438], %swap3A_441 {strides = array<i32>} : memref<3x128xf32, #tpu.memory_space<vmem>>, vector<1x16xf32>,
      %mul3A_442 = arith.mulf %get3A_56, %get3A_409 : vector<16xf32>
      %mul3A_443 = arith.mulf %get3A_63, %get3A_414 : vector<16xf32>
      %add3A_444 = arith.addf %mul3A_442, %mul3A_443 : vector<16xf32>
      %mul3A_445 = arith.mulf %get3A_70, %get3A_419 : vector<16xf32>
      %add3A_446 = arith.addf %add3A_444, %mul3A_445 : vector<16xf32>
      %swap3A_447 = arith.constant 2 : i32
      %swap3A_448 = arith.index_cast %swap3A_447 : i32 to index
      %swap3A_449 = arith.constant 112 : index
      %swap3A_450 = tpu.vector_load %arg7[%swap3A_448, %swap3A_449] {strides = array<i32>} : memref<3x128xf32, #tpu.memory_space<vmem>>, vector<1x16xf32>,
      %swap3A_451 = vector.shape_cast %swap3A_450 : vector<1x16xf32> to vector<16xf32>
      %swap3A_452 = vector.shape_cast %add3A_446 : vector<16xf32> to vector<1x16xf32>
      tpu.vector_store %arg7[%swap3A_448, %swap3A_449], %swap3A_452 {strides = array<i32>} : memref<3x128xf32, #tpu.memory_space<vmem>>, vector<1x16xf32>,
      %dma_start3A_453 = arith.constant 0 : i32
      %dma_start3A_454 = tpu.memref_slice %arg4[%dma_start3A_453, %mul3A_2] : memref<3x1024xf32, #tpu.memory_space<hbm>> -> memref<3x128xf32, #tpu.memory_space<hbm>>
      %dma_start3A_455 = arith.constant 0 : i32
      %dma_start3A_456 = tpu.memref_slice %arg4[%dma_start3A_455, %mul3A_2] : memref<3x1024xf32, #tpu.memory_space<hbm>> -> memref<3x128xf32, #tpu.memory_space<hbm>>
      tpu.enqueue_dma source(%arg7 : memref<3x128xf32, #tpu.memory_space<vmem>>) target(%dma_start3A_456 : memref<3x128xf32, #tpu.memory_space<hbm>>) target_semaphore(%arg8 : memref<!tpu.dma_semaphore, #tpu.memory_space<semaphore_mem>>)
      %dma_wait3A_457 = arith.constant 0 : i32
      %dma_wait3A_458 = tpu.memref_slice %arg4[%dma_wait3A_457, %mul3A_2] : memref<3x1024xf32, #tpu.memory_space<hbm>> -> memref<3x128xf32, #tpu.memory_space<hbm>>
      %dma_wait3A_459 = arith.constant 0 : i32
      %dma_wait3A_460 = tpu.memref_slice %arg4[%dma_wait3A_459, %mul3A_2] : memref<3x1024xf32, #tpu.memory_space<hbm>> -> memref<3x128xf32, #tpu.memory_space<hbm>>
      tpu.wait_dma2 semaphore(%arg8 : memref<!tpu.dma_semaphore, #tpu.memory_space<semaphore_mem>>) src(%arg7 : memref<3x128xf32, #tpu.memory_space<vmem>>) dst(%dma_wait3A_460 : memref<3x128xf32, #tpu.memory_space<hbm>>)
    } else {
    }
    return
  }
}

</mosaic_0001>

<sc_bundles>
// kernel: kernel.3.cloned.1.call-start
scs
__scs_entry_jumppad:
0x0: {  	(pc) =	sbr.rel $0x88, $3  }
0x1: {  	(tag) =	ssettag $0x0;
	lr =	simm.s32 $0x1  }
0x2: {  	[smem:$0x3F9F] =	sst lr;
	_ =	strace $0xD0000000  }
0x3: {  	_ = 	snop  }
0x4: {  	_ = 	snop  }
0x5: {  	_ = 	snop  }
0x6: {  	_ = 	snop  }
0x7: {  	_ = 	snop  }
__scs_overlays_trampoline_lowered:
0x8: {  	[smem:$0x3FAE] =	sst s0  }
0x9: {  	[smem:$0x3FAF] =	sst s1  }
0xa: {  	[smem:$0x3FB0] =	sst s2  }
0xb: {  	[smem:$0x3FB1] =	sst s3  }
0xc: {  	[smem:$0x3FB2] =	sst s4  }
0xd: {  	[smem:$0x3FB3] =	sst s5  }
0xe: {  	[smem:$0x3FB4] =	sst s6  }
0xf: {  	[smem:$0x3FB5] =	sst s7  }
0x10: {  	[smem:$0x3FB6] =	sst s8  }
0x11: {  	[smem:$0x3FB7] =	sst s9;
	s0 =	simm.s32 @!p0 $0x0  }
0x12: {  	s1 =	sld [smem:$0x3F9D];
	s0 =	simm.s32 @p0 $0x1  }
0x13: {  	[smem:$0x3FB8] =	sst s0;
	s0 =	simm.s32 @!p1 $0x0  }
0x14: {  	s2 =	sld [smem:$0x3F9C];
	s0 =	simm.s32 @p1 $0x1  }
0x15: {  	[smem:$0x3FB9] =	sst s0;
	s0 =	simm.s32 @!p2 $0x0  }
0x16: {  	s3 =	sld [smem:$0x3FDB];
	s0 =	simm.s32 @p2 $0x1  }
0x17: {  	s4 =	simm.s32 $0x1BF5;
	[smem:$0x3FBB] =	sst s0  }
0x18: {  	s0 =	sld [smem:$0x3F9E];
	_ =	swait.ge [sflag:s4], $0x0  }
0x19: {  	s7 =	sld [smem:$0x3F9F]  }
0x1a: {  	s8 =	sadd.s32 $0xFFFFE003, lr  }
0x1b: {  	s9 =	sadd.s32 $0xFFFFFEF7, lr;
	s5 =	simm.s32 $0xFFFFFFFF;
	p2 =	slt.u32 s8, $0xFFFFF086  }
0x1c: {  	p1 =	slt.u32 s9, $0xF7A;
	s5 =	simm.s32 @!p2 $0x0  }
0x1d: {  	s5 =	simm.s32 @p1 $0x1;
	p0 =	seq.s32 s7, s2  }
0x1e: {  	s7 =	smul.u32 @!p0 $0xF7A, s2;
	p2 =	seq.s32 @!p0 s5, $0x0  }
0x1f: {  	s9 =	smul.u32 $0xF7A, s1;
	s8 =	simm.s32 @!p0 $0x1BF5;
	p2 =	por !p2, p0  }
0x20: {  	[sflag:s8] =	ssyncset.s32 @!p0 $0xFFFFF086;
	s6 =	sadd.s32 @!p0 s3, s7;
	s7 =	simm.s32 @!p0 $0x108  }
0x21: {  	s3 =	sadd.s32 s3, s9;
	s6 =	sadd.s32 @!p0 $0x88, s6;
	s7 =	simm.s32 @p2 $0x1082  }
0x22: {  	[simem:s7], [sflag:s8] =	dma.local @!p0 [hbm:s6], $0xF7A  }
0x23: {  	s9 =	sor.u32 $0xD0000000, s2;
	s6 =	simm.s32 $0x108;
	_ =	swait.ge @!p0 [sflag:s8], $0x0  }
0x24: {  	s3 =	sadd.s32 $0x88, s3;
	s6 =	simm.s32 @!p1 $0x1082;
	[sflag:s4] =	ssyncset.s32 $0xFFFFF086  }
0x25: {  	[simem:s6], [sflag:s4] =	dma.local [hbm:s3], $0xF7A  }
0x26: {  	[smem:$0x3F9F] =	sst s1;
	(tag) =	ssettag s2;
	_ =	strace s9  }
0x27: {  	s1 =	sld [smem:$0x3FAF]  }
0x28: {  	s2 =	sld [smem:$0x3FB0]  }
0x29: {  	s4 =	sld [smem:$0x3FB2]  }
0x2a: {  	p0 =	seq.s32 s5, $0x0;
	s5 =	sld [smem:$0x3FB3]  }
0x2b: {  	s6 =	sld [smem:$0x3FB4]  }
0x2c: {  	s7 =	sld [smem:$0x3FB5]  }
0x2d: {  	s3 =	simm.s32 $0x108;
	s8 =	sld [smem:$0x3FB6]  }
0x2e: {  	s3 =	simm.s32 @!p0 $0x1082;
	s9 =	sld [smem:$0x3FB7]  }
0x2f: {  	lr =	sadd.s32 s0, s3;
	s0 =	sld [smem:$0x3FAE]  }
0x30: {  	s3 =	sld [smem:$0x3FB1]  }
0x31: {  	[smem:$0x3FBA] =	sst s10  }
0x32: {  	s10 =	sld [smem:$0x3FB8];
	_ =	sdelay $0x3  }
0x33: {  	p0 =	seq.s32 s10, $0x1;
	s10 =	sld [smem:$0x3FBA];
	_ =	sdelay $0x3  }
0x34: {  	[smem:$0x3FBA] =	sst s10  }
0x35: {  	s10 =	sld [smem:$0x3FB9];
	_ =	sdelay $0x3  }
0x36: {  	p1 =	seq.s32 s10, $0x1;
	s10 =	sld [smem:$0x3FBA];
	_ =	sdelay $0x3  }
0x37: {  	[smem:$0x3FBA] =	sst s10  }
0x38: {  	s10 =	sld [smem:$0x3FBB]  }
0x39: {  	_ = 	snop;
	(pc) =	sbr.ind lr, $3  }
0x3a: {  	_ = 	snop  }
0x3b: {  	_ = 	snop  }
0x3c: {  	p2 =	seq.s32 s10, $0x1;
	s10 =	sld [smem:$0x3FBA]  }
0x3d: {  	_ =	shalt  }
0x3e: {  	_ =	shalt  }
0x3f: {  	_ =	shalt  }
0x40: {  	_ =	shalt  }
0x41: {  	_ =	shalt  }
0x42: {  	_ =	shalt  }
0x43: {  	_ =	shalt  }
0x44: {  	_ =	shalt  }
0x45: {  	_ =	shalt  }
0x46: {  	_ =	shalt  }
0x47: {  	_ =	shalt  }
0x48: {  	_ =	shalt  }
0x49: {  	_ =	shalt  }
0x4a: {  	_ =	shalt  }
0x4b: {  	_ =	shalt  }
0x4c: {  	_ =	shalt  }
0x4d: {  	_ =	shalt  }
0x4e: {  	_ =	shalt  }
0x4f: {  	_ =	shalt  }
0x50: {  	_ =	shalt  }
0x51: {  	_ =	shalt  }
0x52: {  	_ =	shalt  }
0x53: {  	_ =	shalt  }
0x54: {  	_ =	shalt  }
0x55: {  	_ =	shalt  }
0x56: {  	_ =	shalt  }
0x57: {  	_ =	shalt  }
0x58: {  	_ =	shalt  }
0x59: {  	_ =	shalt  }
0x5a: {  	_ =	shalt  }
0x5b: {  	_ =	shalt  }
0x5c: {  	_ =	shalt  }
0x5d: {  	_ =	shalt  }
0x5e: {  	_ =	shalt  }
0x5f: {  	_ =	shalt  }
0x60: {  	_ =	shalt  }
0x61: {  	_ =	shalt  }
0x62: {  	_ =	shalt  }
0x63: {  	_ =	shalt  }
0x64: {  	_ =	shalt  }
0x65: {  	_ =	shalt  }
0x66: {  	_ =	shalt  }
0x67: {  	_ =	shalt  }
0x68: {  	_ =	shalt  }
0x69: {  	_ =	shalt  }
0x6a: {  	_ =	shalt  }
0x6b: {  	_ =	shalt  }
0x6c: {  	_ =	shalt  }
0x6d: {  	_ =	shalt  }
0x6e: {  	_ =	shalt  }
0x6f: {  	_ =	shalt  }
0x70: {  	_ =	shalt  }
0x71: {  	_ =	shalt  }
0x72: {  	_ =	shalt  }
0x73: {  	_ =	shalt  }
0x74: {  	_ =	shalt  }
0x75: {  	_ =	shalt  }
0x76: {  	_ =	shalt  }
0x77: {  	_ =	shalt  }
0x78: {  	_ =	shalt  }
0x79: {  	_ =	shalt  }
0x7a: {  	_ =	shalt  }
0x7b: {  	_ =	shalt  }
0x7c: {  	_ =	shalt  }
0x7d: {  	_ =	shalt  }
0x7e: {  	_ =	shalt  }
0x7f: {  	_ =	shalt  }
0x80: {  	_ =	shalt  }
0x81: {  	_ =	shalt  }
0x82: {  	_ =	shalt  }
0x83: {  	_ =	shalt  }
0x84: {  	_ =	shalt  }
0x85: {  	_ =	shalt  }
0x86: {  	_ =	shalt  }
0x87: {  	_ =	shalt  }
.Lfunc_end0:
.L_simem_size_0:
called_computation_lowered:
.L_overlay_start_0:
0x88: {  	s0 =	sld [smem:$0x3FD9]  }
0x89: {  	s1 =	sld [smem:$0x3FFE];
	_ =	sdelay $0x3  }
0x8a: {  	s0 =	sadd.s32 s1, s0  }
0x8b: {  	[smem:$0x3FC6] =	sst s0  }
0x8c: {  	_ = 	snop  }
0x8d: {  	s0 =	sld [smem:$0x3FC9]  }
0x8e: {  	s16 =	sld [smem:$0x3FD0];
	(tm) =	ssettm $0x1  }
0x8f: {  	s2 =	sld [smem:$0x3FFB];
	_ =	sdelay $0x3  }
0x90: {  	_ =	strace s2  }
0x91: {  	s2 =	sld [smem:$0x3FFC];
	_ =	sdelay $0x3  }
0x92: {  	_ =	strace s2  }
0x93: {  	s2 =	sld [smem:$0x3FFD];
	_ =	sdelay $0x3  }
0x94: {  	_ =	strace s2  }
0x95: {  	_ =	strace $0x8FFFFFFF  }
0x96: {  	s17 =	sld [smem:$0x3FDB];
	_ =	sdelay $0x1  }
0x97: {  	s3 =	simm.s32 $_scs_section_size  }
0x98: {  	s4 =	simm.s32 $_size__tile_overlayer_lowered;
	s5 =	simm.s32 $_tile_overlayer_lowered  }
0x99: {  	s20 =	simm.s32 $0x1BFF;
	s19 =	sshll.u32 s5, $0x1;
	s2 =	sadd.s32 s3, s17  }
0x9a: {  	s6 =	simm.s32 $0x0;
	s18 =	sshll.u32 s4, $0x1;
	s4 =	sadd.s32 s19, s2  }
0x9b: {  	[timem:s6], [sflag:s20] =	dma.local [hbm:s4], s18  }
0x9c: {  	_ =	swait.ge [sflag:s20], s18  }
0x9d: {  	s3 =	ssub.s32 $0x0, s18;
	[sflag:s20] =	ssyncset.done $0x0  }
0x9e: {  	[sflag:s20] =	ssyncadd.s32 s3;
	_ =	sdelay $0x1  }
0x9f: {  	s21 =	simm.s32 $0x1B8B  }
0xa0: {  	_ =	swait.ge [sflag:s21], $0x1  }
0xa1: {  	[sflag:s21] =	ssyncset.done $0x0  }
0xa2: {  	s23 =	simm.s32 $0x1B8E;
	s22 =	sld [smem:$0x3FFE];
	[sflag:s21] =	ssyncadd.s32 $0xFFFFFFFF  }
0xa3: {  	s24 =	simm.s32 $execute0_lowered;
	[smem:$0x3FD2] =	sst s23  }
0xa4: {  	s4 =	sshll.u32 s24, $0x1;
	_ =	strace $0x80000046;
	[dreg:$0x1] =	wrdreg $0xFFFFFFFF  }
0xa5: {  	s25 =	simm.s32 $_size_execute0_lowered;
	s2 =	sadd.s32 s2, s4;
	[dreg:$0x0] =	wrdreg $0x0  }
0xa6: {  	s4 =	sshll.u32 s25, $0x1;
	[dreg:$0x2] =	wrdreg s2  }
0xa7: {  	[dreg:$0x3] =	wrdreg s4  }
0xa8: {  	[dreg:$0x4] =	wrdreg $0xC0  }
0xa9: {  	_ =	task [dreg:s6], $0x5FFFF  }
0xaa: {  	[dreg:$0x1] =	wrdreg $0xFFFFFFFF  }
0xab: {  	[dreg:$0x0] =	wrdreg $0x60  }
0xac: {  	[dreg:$0x2] =	wrdreg s0  }
0xad: {  	[dreg:$0x3] =	wrdreg s22  }
0xae: {  	[dreg:$0x4] =	wrdreg s16  }
0xaf: {  	[dreg:$0x5] =	wrdreg $0x9  }
0xb0: {  	_ =	task.clear_ibuf [dreg:s6], $0x6FFFF;
	_ =	strace $0x90000046  }
0xb1: {  	s26 =	simm.s32 $0x9;
	_ =	strace $0x80000048  }
0xb2: {  	_ =	swait.ge [sflag:s26], $0x1  }
0xb3: {  	[sflag:s26] =	ssyncadd.s32 $0xFFFFFFFF  }
0xb4: {  	_ =	strace $0x90000048  }
0xb5: {  	_ =	sfence  }
0xb6: {  	s28 =	sld [smem:$0x0];
	_ =	sdelay $0x1  }
0xb7: {  	s29 =	srdreg.scid  }
0xb8: {  	s30 =	sshll.u32 s29, $0xD;
	s31 =	sshrl.u32 s29, $0x2  }
0xb9: {  	s1 =	sand.u32 $0x1, s29;
	s2 =	sand.u32 $0x4000, s30;
	s0 =	sadd.s32 s31, s28  }
0xba: {  	s1 =	sor.u32 s2, s1;
	s0 =	sshll.u32 s0, $0x11  }
0xbb: {  	s0 =	sor.u32 s0, s1  }
0xbc: {  	s0 =	sadd.s32 $0x8F2B, s0  }
0xbd: {  	[sflag:s0] =	ssyncadd.remote.s32 $0x1  }
0xbe: {  	_ =	sfence.sel $0xFFFF  }
0xbf: {  	[dreg:$0x0] =	wrdreg $0xFFFFFFFF;
	(pc) =	sbr.abs _section_cstart, $3  }
0xc0: {  	[dreg:$0x1] =	wrdreg $0xFFFFFFFF  }
0xc1: {  	_ =	task.clear_ibuf [dreg:s6], $0x2FFFF;
	_ =	strace $0x9FFFFFFF  }
0xc2: {  	(tm) =	ssettm $0x7FFFFFFF  }
0xc3: {  	_ =	shalt  }
tec
execute0_lowered:
.L_overlay_start_1:
0x0: {  	(tag) =	ssettag $0x1  }
0x1: {  	s1 =	stileid.u32  }
0x2: {  	p0 =	sgt.u32 s1, $0x7  }
.Ltmp0:
0x3: {  	s6 =	rddreg [dreg:$0x0];
	(pc) =	sbr.rel @p0 .LBB2_2-.Ltmp0, $4  }
0x4: {  	s4 =	rddreg [dreg:$0x1]  }
0x5: {  	s3 =	rddreg [dreg:$0x2];
	s2 =	simm.s32 $0x0  }
0x6: {  	[smem:$0x7FF] =	sst s2  }
0x7: {  	s0 =	rddreg [dreg:$0x3];
	_ =	strace $0x80000047  }
0x8: {  	s7 =	sadd.s32 $0x400, s4  }
0x9: {  	[tilespmem:s2], [sflag:$0x1] =	stream.linear.gather [hbm4b:s7+s2], $0x180, $0x38;
	[tilespmem:$0xA00] =	vst v63  }
0xa: {  	s24 =	simm.s32 $0x200;
	s5 =	sadd.s32 $0x40, s7  }
0xb: {  	[tilespmem:s24], [sflag:$0x1] =	stream.linear.gather [hbm4b:s5+s2], $0x180, $0x38;
	[tilespmem:$0xA00] =	vst v63  }
0xc: {  	s25 =	sshll.u32 s1, $0x6;
	s8 =	simm.s32 $0x400;
	s7 =	sadd.s32 $0x80, s7  }
0xd: {  	[tilespmem:s8], [sflag:$0x1] =	stream.linear.gather [hbm4b:s7+s2], $0x180, $0x38;
	[tilespmem:$0xA00] =	vst v63  }
0xe: {  	s28 =	simm.s32 $0x1000;
	s29 =	simm.s32 $0x600;
	s26 =	sadd.s32 s6, s25  }
0xf: {  	[tilespmem:s29], [sflag:$0x1] =	stream.strided.gather [hbm4b:s26+s24], $0x0, s28, s24, $0x38;
	[tilespmem:$0xA00] =	vst v63  }
0x10: {  	s30 =	simm.s32 $0x1  }
0x11: {  	[tilespmem:s29], [sflag:$0x1] =	stream.linear.gather [hbm4b:s26+s2], $0x180, $0x38;
	[tilespmem:$0xA00] =	vst v63  }
0x12: {  	_ =	swait.ge [sflag:s30], $0x480  }
0x13: {  	[sflag:s30] =	ssyncset.done $0x0  }
0x14: {  	[sflag:s30] =	ssyncadd.s32 $0xFFFFFB80  }
0x15: {  	_ =	swait.ge [sflag:s30], $0x180  }
0x16: {  	[sflag:s30] =	ssyncset.done $0x0  }
0x17: {  	[sflag:s30] =	ssyncadd.s32 $0xFFFFFE80  }
0x18: {  	v6 =	vld [tilespmem:$0x0]  }
0x19: {  	v5 =	vld [tilespmem:$0x80]  }
0x1a: {  	v2 =	vld [tilespmem:$0x100]  }
0x1b: {  	v7 =	vld [tilespmem:$0x200]  }
0x1c: {  	v4 =	vld [tilespmem:$0x280]  }
0x1d: {  	v0 =	vld [tilespmem:$0x300]  }
0x1e: {  	v8 =	vld [tilespmem:$0x400]  }
0x1f: {  	v3 =	vld [tilespmem:$0x480]  }
0x20: {  	v9 =	vld [tilespmem:$0x600]  }
0x21: {  	v10 =	vld [tilespmem:$0x680]  }
0x22: {  	v11 =	vld [tilespmem:$0x700]  }
0x23: {  	v1 =	vld [tilespmem:$0x500]  }
0x24: {  	v12 =	vld [tilespmem:$0x610]  }
0x25: {  	v13 =	vld [tilespmem:$0x690];
	v14 =	vmul.f32 v9, v6  }
0x26: {  	v16 =	vld [tilespmem:$0x710];
	v15 =	vmul.f32 v10, v5;
	v17 =	vmul.f32 v9, v7  }
0x27: {  	v18 =	vmul.f32 v10, v4;
	v29 =	vmul.f32 v11, v2  }
0x28: {  	v19 =	vmul.f32 v11, v0;
	v9 =	vmul.f32 v9, v8  }
0x29: {  	v31 =	vld [tilespmem:$0x620];
	v10 =	vmul.f32 v10, v3;
	v11 =	vmul.f32 v11, v1  }
0x2a: {  	v21 =	vld [tilespmem:$0x6A0];
	v30 =	vmul.f32 v12, v6;
	v32 =	vmul.f32 v13, v5  }
0x2b: {  	v34 =	vld [tilespmem:$0x720];
	v20 =	vmul.f32 v16, v2;
	v33 =	vmul.f32 v12, v7  }
0x2c: {  	v36 =	vld [tilespmem:$0x630];
	v22 =	vmul.f32 v13, v4;
	v12 =	vmul.f32 v12, v8  }
0x2d: {  	v38 =	vld [tilespmem:$0x6B0];
	v13 =	vmul.f32 v13, v3;
	v35 =	vmul.f32 v16, v0  }
0x2e: {  	v23 =	vld [tilespmem:$0x730];
	v37 =	vmul.f32 v16, v1;
	v39 =	vmul.f32 v31, v6  }
0x2f: {  	v40 =	vmul.f32 v21, v5;
	v41 =	vmul.f32 v31, v7  }
0x30: {  	v44 =	vld [tilespmem:$0x640];
	v24 =	vmul.f32 v21, v4;
	v42 =	vmul.f32 v34, v2  }
0x31: {  	v27 =	vld [tilespmem:$0x6C0];
	v25 =	vmul.f32 v34, v0;
	v21 =	vmul.f32 v21, v3  }
0x32: {  	v43 =	vmul.f32 v36, v6;
	v45 =	vmul.f32 v38, v5  }
0x33: {  	v47 =	vld [tilespmem:$0x740];
	v26 =	vmul.f32 v23, v2;
	v46 =	vmul.f32 v36, v7  }
0x34: {  	v28 =	vmul.f32 v38, v4;
	v16 =	vmul.f32 v38, v3  }
0x35: {  	v49 =	vmul.f32 v23, v0;
	v51 =	vmul.f32 v23, v1  }
0x36: {  	v50 =	vld [tilespmem:$0x650];
	v54 =	vmul.f32 v44, v6;
	v55 =	vmul.f32 v27, v5  }
0x37: {  	v57 =	vmul.f32 v44, v7;
	v58 =	vmul.f32 v27, v4  }
0x38: {  	v60 =	vmul.f32 v47, v2;
	v14 =	vadd.f32 v15, v14;
	v17 =	vadd.f32 v18, v17  }
0x39: {  	v61 =	vmul.f32 v47, v0;
	v9 =	vadd.f32 v10, v9;
	v15 =	vadd.f32 v32, v30  }
0x3a: {  	v63 =	vmul.f32 v44, v8;
	v10 =	vadd.f32 v22, v33;
	v12 =	vadd.f32 v13, v12  }
0x3b: {  	v38 =	vmul.f32 v50, v7;
	v13 =	vadd.f32 v24, v41;
	v48 =	vadd.f32 v28, v46  }
0x3c: {  	v56 =	vld [tilespmem:$0x750];
	v18 =	vmul.f32 v31, v8;
	v59 =	vadd.f32 v55, v54;
	v62 =	vadd.f32 v58, v57  }
0x3d: {  	v22 =	vmul.f32 v36, v8;
	v14 =	vadd.f32 v29, v14;
	v17 =	vadd.f32 v19, v17  }
0x3e: {  	v52 =	vld [tilespmem:$0x6D0];
	v30 =	vmul.f32 v47, v1;
	v9 =	vadd.f32 v11, v9;
	v15 =	vadd.f32 v20, v15  }
0x3f: {  	v31 =	vmul.f32 v50, v6;
	v10 =	vadd.f32 v35, v10;
	v12 =	vadd.f32 v37, v12;
	[tilespmem:$0x800] =	vst v14  }
0x40: {  	v41 =	vmul.f32 v50, v8;
	v11 =	vadd.f32 v40, v39;
	v13 =	vadd.f32 v25, v13;
	[tilespmem:$0x880] =	vst v17  }
0x41: {  	v32 =	vld [tilespmem:$0x660];
	v46 =	vmul.f32 v56, v1;
	v18 =	vadd.f32 v21, v18;
	v20 =	vadd.f32 v45, v43;
	[tilespmem:$0x900] =	vst v9  }
0x42: {  	v36 =	vld [tilespmem:$0x6E0];
	v19 =	vmul.f32 v34, v1;
	v16 =	vadd.f32 v16, v22;
	v53 =	vadd.f32 v49, v48;
	[tilespmem:$0x810] =	vst v15  }
0x43: {  	v29 =	vmul.f32 v27, v3;
	v33 =	vadd.f32 v61, v62;
	v34 =	vmul.f32 v52, v5;
	[tilespmem:$0x890] =	vst v10  }
0x44: {  	v47 =	vld [tilespmem:$0x670];
	v35 =	vmul.f32 v56, v2;
	v39 =	vmul.f32 v52, v4;
	v11 =	vadd.f32 v42, v11;
	[tilespmem:$0x910] =	vst v12  }
0x45: {  	v45 =	vmul.f32 v56, v0;
	v18 =	vadd.f32 v19, v18;
	v20 =	vadd.f32 v26, v20;
	[tilespmem:$0x8A0] =	vst v13  }
0x46: {  	v50 =	vld [tilespmem:$0x6F0];
	v16 =	vadd.f32 v51, v16;
	v42 =	vmul.f32 v52, v3;
	[tilespmem:$0x8B0] =	vst v53;
	v48 =	vmul.f32 v32, v6  }
0x47: {  	v9 =	vadd.f32 v60, v59;
	[tilespmem:$0x8C0] =	vst v33;
	v49 =	vmul.f32 v36, v5;
	v51 =	vmul.f32 v32, v7  }
0x48: {  	v43 =	vld [tilespmem:$0x760];
	v37 =	vadd.f32 v29, v63;
	v52 =	vmul.f32 v36, v4;
	v58 =	vmul.f32 v32, v8;
	[tilespmem:$0x820] =	vst v11  }
0x49: {  	v40 =	vadd.f32 v34, v31;
	v59 =	vmul.f32 v36, v3;
	v6 =	vmul.f32 v47, v6;
	[tilespmem:$0x920] =	vst v18  }
0x4a: {  	v44 =	vadd.f32 v39, v38;
	v7 =	vmul.f32 v47, v7;
	v8 =	vmul.f32 v47, v8;
	[tilespmem:$0x830] =	vst v20  }
0x4b: {  	v56 =	vld [tilespmem:$0x770];
	v5 =	vmul.f32 v50, v5;
	v4 =	vmul.f32 v50, v4;
	v10 =	vadd.f32 v30, v37;
	[tilespmem:$0x930] =	vst v16  }
0x4c: {  	v3 =	vmul.f32 v50, v3;
	v13 =	vadd.f32 v35, v40;
	v15 =	vadd.f32 v42, v41;
	[tilespmem:$0x840] =	vst v9  }
0x4d: {  	v11 =	vadd.f32 v45, v44;
	v53 =	vadd.f32 v49, v48;
	v54 =	vmul.f32 v43, v2;
	[tilespmem:$0x940] =	vst v10  }
0x4e: {  	v55 =	vmul.f32 v43, v0;
	v57 =	vadd.f32 v52, v51;
	v15 =	vadd.f32 v46, v15;
	[tilespmem:$0x850] =	vst v13  }
0x4f: {  	v61 =	vadd.f32 v59, v58;
	v62 =	vmul.f32 v43, v1;
	[tilespmem:$0x8D0] =	vst v11;
	v9 =	vadd.f32 v54, v53  }
0x50: {  	v5 =	vadd.f32 v5, v6;
	v2 =	vmul.f32 v56, v2;
	v60 =	vadd.f32 v55, v57;
	[tilespmem:$0x950] =	vst v15  }
0x51: {  	v4 =	vadd.f32 v4, v7;
	v0 =	vmul.f32 v56, v0;
	v63 =	vadd.f32 v62, v61;
	[tilespmem:$0x860] =	vst v9  }
0x52: {  	v3 =	vadd.f32 v3, v8;
	v1 =	vmul.f32 v56, v1;
	v2 =	vadd.f32 v2, v5;
	[tilespmem:$0x8E0] =	vst v60  }
0x53: {  	v0 =	vadd.f32 v0, v4;
	[tilespmem:$0x960] =	vst v63  }
0x54: {  	v1 =	vadd.f32 v1, v3;
	[tilespmem:$0x870] =	vst v2  }
0x55: {  	[tilespmem:$0x8F0] =	vst v0  }
0x56: {  	s31 =	simm.s32 $0x800;
	s3 =	sadd.s32 s3, s25;
	[tilespmem:$0x970] =	vst v1  }
0x57: {  	[hbm4b:s3+s24] =	stream.strided.scatter [tilespmem:s31], [sflag:$0x1], $0x0, s28, s24, $0x38;
	[tilespmem:$0xA00] =	vst v63  }
0x58: {  	_ = 	snop  }
0x59: {  	[hbm4b:s3+s2] =	stream.linear.scatter [tilespmem:s31], [sflag:$0x1], $0x180, $0x38;
	[tilespmem:$0xA00] =	vst v63  }
0x5a: {  	_ =	swait.ge [sflag:s30], $0x180  }
0x5b: {  	[sflag:s30] =	ssyncset.done $0x0  }
0x5c: {  	[sflag:s30] =	ssyncadd.s32 $0xFFFFFE80  }
.LBB2_2:
0x5d: {  	_ =	sfence.sel $0x180000  }
0x5e: {  	[bflag:$0x0] =	sbarrier.arrive $0xFFFF  }
0x5f: {  	p0 =	sne.s32 s1, $0x0;
	_ =	strace $0x90000047  }
0x60: {  	s0 =	sadd.s32 @!p0 $0x100000, s0;
	[bflag:$0x2] =	sbarrier.arrive $0xFFFF  }
0x61: {  	[sflag:s0] =	ssyncadd.tile.s32 @!p0 $0x1;
	_ =	shalt  }
.Lfunc_end2:
_tile_overlayer_lowered:
.L_overlay_start_2:
0x62: {  	(tag) =	ssettag $0x2  }
0x63: {  	s0 =	rddreg [dreg:$0x0];
	s2 =	stileid.u32  }
0x64: {  	s1 =	rddreg [dreg:$0x1];
	p0 =	sne.s32 s2, $0x0  }
0x65: {  	s3 =	rddreg [dreg:$0x2];
	[bflag:$0x3] =	sbarrier.arrive $0xFFFF;
	s2 =	simm.s32 @!p0 $0x1C02  }
0x66: {  	[timem:s3], [sflag:s2] =	dma.local @!p0 [hbm:s0], s1  }
0x67: {  	s0 =	simm.s32 @!p0 $0x2  }
0x68: {  	_ =	swait.ge @!p0 [sflag:s0], s1  }
0x69: {  	s1 =	ssub.s32 @!p0 $0x0, s1;
	[sflag:s0] =	ssyncset.done @!p0 $0x0  }
0x6a: {  	[sflag:s0] =	ssyncadd.s32 @!p0 s1  }
0x6b: {  	[bflag:$0x3] =	sbarrier.arrive $0xFFFF  }
0x6c: {  	_ =	shalt  }

</sc_bundles>
